<compile_context>
chip_gen: v7x
topology: tpu7x:2x2x1
jax: 0.10.2.dev20260603
libtpu: 0.0.44.dev20260713+nightly
codegen_flags: <defaults>
</compile_context>

<pallas_src>
import functools

import jax
import jax.numpy as jnp
from jax import lax
from jax.experimental import pallas as pl
from jax.experimental.pallas import tpu as pltpu
from jax.experimental.pallas import tpu_sc as plsc

LN_EPS = 1e-12

_N_TOK = 8192
_D = 128
_H = 2048
_NW = 32
_TPW = _N_TOK // _NW
_TS = 1024
_NB = _N_TOK // _TS


def _sc_gather(table, ids2d):
    mesh = plsc.VectorSubcoreMesh(core_axis_name="c", subcore_axis_name="s")
    seq = ids2d.shape[1]
    n_sub = _TPW // 128

    @functools.partial(
        pl.kernel,
        mesh=mesh,
        out_type=jax.ShapeDtypeStruct((_N_TOK, _D), jnp.float32),
        scratch_types=[
            pltpu.VMEM((n_sub, 128), jnp.int32),
            pltpu.VMEM((_TPW, _D), jnp.float32),
            pltpu.SemaphoreType.DMA,
            pltpu.SemaphoreType.DMA,
            pltpu.SemaphoreType.DMA,
        ],
    )
    def k(table_hbm, idx_hbm, out_hbm, idx_v, rows_v, sem_i, sem_g, sem_s):
        wid = lax.axis_index("s") * 2 + lax.axis_index("c")
        tok0 = wid * _TPW
        row = tok0 // seq
        col = tok0 % seq
        idx_cp = [
            pltpu.async_copy(idx_hbm.at[row, pl.ds(col + j * 128, 128)],
                             idx_v.at[j], sem_i)
            for j in range(n_sub)
        ]
        gather_cp = []
        for j in range(n_sub):
            idx_cp[j].wait()
            gather_cp.append(
                pltpu.async_copy(
                    table_hbm.at[idx_v.at[j]],
                    rows_v.at[pl.ds(j * 128, 128)],
                    sem_g,
                )
            )
        scatter_cp = []
        for j in range(n_sub):
            gather_cp[j].wait()
            scatter_cp.append(
                pltpu.async_copy(
                    rows_v.at[pl.ds(j * 128, 128)],
                    out_hbm.at[pl.ds(tok0 + j * 128, 128)],
                    sem_s,
                )
            )
        for cp in scatter_cp:
            cp.wait()

    return k(table, ids2d)


def _tc_tail(g, ttf, type_table, pos_table, ln_scale, ln_bias, W, b):
    pos_blocks = 2048 // _TS

    def body(g_ref, tt_ref, type_ref, pos_ref, sc_ref, bi_ref, w_ref,
             bias_ref, o_ref):
        gv = g_ref[...]
        tt = tt_ref[...]
        t0 = type_ref[0:1, :]
        t1 = type_ref[1:2, :]
        te = t0 + tt * (t1 - t0)
        total = gv + te + pos_ref[...]
        mean = jnp.mean(total, axis=-1, keepdims=True)
        cent = total - mean
        var = jnp.mean(cent * cent, axis=-1, keepdims=True)
        xn = cent * lax.rsqrt(var + LN_EPS)
        xn = xn * sc_ref[...] + bi_ref[...]
        o_ref[...] = (
            jnp.dot(xn, w_ref[...], preferred_element_type=jnp.float32)
            + bias_ref[...]
        )

    return pl.pallas_call(
        body,
        grid=(_NB,),
        in_specs=[
            pl.BlockSpec((_TS, _D), lambda i: (i, 0)),
            pl.BlockSpec((_TS, 1), lambda i: (i, 0)),
            pl.BlockSpec((2, _D), lambda i: (0, 0)),
            pl.BlockSpec((_TS, _D), lambda i: (i % pos_blocks, 0)),
            pl.BlockSpec((1, _D), lambda i: (0, 0)),
            pl.BlockSpec((1, _D), lambda i: (0, 0)),
            pl.BlockSpec((_D, _H), lambda i: (0, 0)),
            pl.BlockSpec((1, _H), lambda i: (0, 0)),
        ],
        out_specs=pl.BlockSpec((_TS, _H), lambda i: (i, 0)),
        out_shape=jax.ShapeDtypeStruct((_N_TOK, _H), jnp.float32),
    )(g, ttf, type_table, pos_table, ln_scale, ln_bias, W, b)


def kernel(ids, token_type_ids, emb_table, type_table, pos_table, ln_scale,
           ln_bias, W, b):
    B, S = ids.shape
    ids32 = ids.astype(jnp.int32)
    ttf = token_type_ids.astype(jnp.float32).reshape(_N_TOK, 1)
    g = _sc_gather(emb_table, ids32)
    hidden = _tc_tail(
        g, ttf, type_table, pos_table,
        ln_scale.reshape(1, _D), ln_bias.reshape(1, _D),
        W, b.reshape(1, _H),
    )
    return hidden.reshape(B, S, _H)

# --- scband reference (transcript-rebuilt; emitter-appended) ---
"""Pipeline reference for scband-albert-embedder-62259845923378 (READ-ONLY COPY).

The authoritative reference and input builder live on the scoring server;
editing this copy changes nothing except your own understanding.
"""

import jax, jax.numpy as jnp
import numpy as np

VOCAB = 100000
TYPE_VOCAB = 2
D_EMB = 128
D_HIDDEN = 2048
MAX_SEQ = 2048
BATCH = 4
SEQ = 2048
LN_EPS = 1e-12


def setup_inputs(seed: int = 0) -> dict:
    key = jax.random.key(seed)
    k_ids, k_tt, k_emb, k_type, k_pos, k_w, k_b, k_g, k_bt = jax.random.split(key, 9)
    ids = jax.random.randint(k_ids, (BATCH, SEQ), 0, VOCAB, dtype=jnp.int64 if jax.config.jax_enable_x64 else jnp.int32)
    token_type_ids = jax.random.randint(k_tt, (BATCH, SEQ), 0, TYPE_VOCAB, dtype=ids.dtype)
    emb_table = jax.random.normal(k_emb, (VOCAB, D_EMB), dtype=jnp.float32) * 0.02
    type_table = jax.random.normal(k_type, (TYPE_VOCAB, D_EMB), dtype=jnp.float32) * 0.02
    pos_table = jax.random.normal(k_pos, (MAX_SEQ, D_EMB), dtype=jnp.float32) * 0.02
    ln_scale = jnp.ones((D_EMB,), dtype=jnp.float32)
    ln_bias = jnp.zeros((D_EMB,), dtype=jnp.float32)
    W = jax.random.normal(k_w, (D_EMB, D_HIDDEN), dtype=jnp.float32) * (1.0 / np.sqrt(D_EMB))
    b = jax.random.normal(k_b, (D_HIDDEN,), dtype=jnp.float32) * 0.01
    return {
        "ids": ids,
        "token_type_ids": token_type_ids,
        "emb_table": emb_table,
        "type_table": type_table,
        "pos_table": pos_table,
        "ln_scale": ln_scale,
        "ln_bias": ln_bias,
        "W": W,
        "b": b,
    }


def _layer_norm(x, scale, bias, eps):
    mean = jnp.mean(x, axis=-1, keepdims=True)
    var = jnp.mean(jnp.square(x - mean), axis=-1, keepdims=True)
    xn = (x - mean) / jnp.sqrt(var + eps)
    return xn * scale + bias


def reference(ids, token_type_ids, emb_table, type_table, pos_table, ln_scale, ln_bias, W, b):
    # embedding lookups (gathers)
    embedded = jnp.take(emb_table, ids, axis=0)                 # [B, S, d_emb]
    token_embedded = jnp.take(type_table, token_type_ids, axis=0)
    pos_idxs = jnp.arange(ids.shape[1])
    pos_embedded = jnp.take(pos_table, pos_idxs, axis=0)[None, :, :]
    total = embedded + token_embedded + pos_embedded
    normalized = _layer_norm(total, ln_scale, ln_bias, LN_EPS)
    # dropout is identity in eval mode
    hidden = jnp.einsum('bsd,dh->bsh', normalized, W) + b
    return hidden

if __name__ == "__main__":
    import jax
    _d = setup_inputs()
    print(jax.jit(kernel)(*tuple(_d.values())))

</pallas_src>

<mosaic_0001>
#map = affine_map<(d0, d1) -> (0, 0)>
module attributes {stable_mosaic.version = 14 : i64} {
  func.func @k(%arg0: i32, %arg1: i32, %arg2: memref<100000x128xf32, #tpu.memory_space<hbm>>, %arg3: memref<4x2048xi32, #tpu.memory_space<hbm>>, %arg4: memref<8192x128xf32, #tpu.memory_space<hbm>>, %arg5: memref<2x128xi32, #tpu.memory_space<vmem>>, %arg6: memref<256x128xf32, #tpu.memory_space<vmem>>, %arg7: memref<!tpu.dma_semaphore, #tpu.memory_space<semaphore_mem>>, %arg8: memref<!tpu.dma_semaphore, #tpu.memory_space<semaphore_mem>>, %arg9: memref<!tpu.dma_semaphore, #tpu.memory_space<semaphore_mem>>) attributes {dimension_semantics = [#tpu.dimension_semantics<core_parallel>, #tpu.dimension_semantics<subcore_parallel>], iteration_bounds = array<i64: 2, 16>, scalar_prefetch = 0 : i64, scratch_operands = 5 : i64, tpu.core_type = #tpu.core_type<sc_vector_subcore>, window_params = [{transform_indices = #map}, {transform_indices = #map}, {transform_indices = #map}]} {
    %mul3A = arith.constant 2 : i32
    %mul3A_0 = arith.muli %arg1, %mul3A : i32
    %add3A = arith.addi %mul3A_0, %arg0 : i32
    %mul3A_1 = arith.constant 256 : i32
    %mul3A_2 = arith.muli %add3A, %mul3A_1 : i32
    %jit3A = arith.constant 2048 : i32
    %div3A = arith.divsi %mul3A_2, %jit3A : i32
    %sign3A = arith.constant 0 : i32
    %sign3A_3 = arith.cmpi sgt, %mul3A_2, %sign3A : i32
    %sign3A_4 = arith.extui %sign3A_3 : i1 to i32
    %sign3A_5 = arith.constant 0 : i32
    %sign3A_6 = arith.cmpi slt, %mul3A_2, %sign3A_5 : i32
    %sign3A_7 = arith.extui %sign3A_6 : i1 to i32
    %sign3A_8 = arith.subi %sign3A_4, %sign3A_7 : i32
    %sign3A_9 = arith.constant 0 : i32
    %sign3A_10 = arith.cmpi sgt, %jit3A, %sign3A_9 : i32
    %sign3A_11 = arith.extui %sign3A_10 : i1 to i32
    %sign3A_12 = arith.constant 0 : i32
    %sign3A_13 = arith.cmpi slt, %jit3A, %sign3A_12 : i32
    %sign3A_14 = arith.extui %sign3A_13 : i1 to i32
    %sign3A_15 = arith.subi %sign3A_11, %sign3A_14 : i32
    %ne3A = arith.cmpi ne, %sign3A_8, %sign3A_15 : i32
    %rem3A = arith.remsi %mul3A_2, %jit3A : i32
    %ne3A_16 = arith.constant 0 : i32
    %ne3A_17 = arith.cmpi ne, %rem3A, %ne3A_16 : i32
    %and3A = arith.andi %ne3A, %ne3A_17 : i1
    %sub3A = arith.constant 1 : i32
    %sub3A_18 = arith.subi %div3A, %sub3A : i32
    %select_n3A = arith.select %and3A, %sub3A_18, %div3A : i32
    %jit3A_19 = arith.constant 2048 : i32
    %eq3A = arith.constant 0 : i32
    %eq3A_20 = arith.cmpi eq, %jit3A_19, %eq3A : i32
    %jit3A_21 = arith.constant 1 : i32
    %select_n3A_22 = arith.select %eq3A_20, %jit3A_21, %jit3A_19 : i32
    %rem3A_23 = arith.remsi %mul3A_2, %select_n3A_22 : i32
    %ne3A_24 = arith.constant 0 : i32
    %ne3A_25 = arith.cmpi ne, %rem3A_23, %ne3A_24 : i32
    %lt3A = arith.constant 0 : i32
    %lt3A_26 = arith.cmpi slt, %rem3A_23, %lt3A : i32
    %lt3A_27 = arith.constant 0 : i32
    %lt3A_28 = arith.cmpi slt, %select_n3A_22, %lt3A_27 : i32
    %ne3A_29 = arith.xori %lt3A_26, %lt3A_28 : i1
    %and3A_30 = arith.andi %ne3A_29, %ne3A_25 : i1
    %add3A_31 = arith.addi %rem3A_23, %select_n3A_22 : i32
    %select_n3A_32 = arith.select %and3A_30, %add3A_31, %rem3A_23 : i32
    %add3A_33 = arith.constant 0 : i32
    %add3A_34 = arith.addi %select_n3A_32, %add3A_33 : i32
    %dma_start3A = arith.constant 0 : i32
    %dma_start3A_35 = arith.constant 0 : i32
    %dma_start3A_36 = tpu.memref_slice %arg5[%dma_start3A, %dma_start3A_35] : memref<2x128xi32, #tpu.memory_space<vmem>> -> memref<1x128xi32, #tpu.memory_space<vmem>>
    %dma_start3A_37 = tpu.memref_squeeze %dma_start3A_36 : memref<1x128xi32, #tpu.memory_space<vmem>> -> memref<128xi32, #tpu.memory_space<vmem>>
    %dma_start3A_38 = tpu.memref_slice %arg3[%select_n3A, %add3A_34] : memref<4x2048xi32, #tpu.memory_space<hbm>> -> memref<1x128xi32, #tpu.memory_space<hbm>>
    %dma_start3A_39 = tpu.memref_squeeze %dma_start3A_38 : memref<1x128xi32, #tpu.memory_space<hbm>> -> memref<128xi32, #tpu.memory_space<hbm>>
    %dma_start3A_40 = arith.constant 0 : i32
    %dma_start3A_41 = tpu.memref_slice %arg5[%dma_start3A, %dma_start3A_40] : memref<2x128xi32, #tpu.memory_space<vmem>> -> memref<1x128xi32, #tpu.memory_space<vmem>>
    %dma_start3A_42 = tpu.memref_squeeze %dma_start3A_41 : memref<1x128xi32, #tpu.memory_space<vmem>> -> memref<128xi32, #tpu.memory_space<vmem>>
    %dma_start3A_43 = tpu.memref_slice %arg3[%select_n3A, %add3A_34] : memref<4x2048xi32, #tpu.memory_space<hbm>> -> memref<1x128xi32, #tpu.memory_space<hbm>>
    %dma_start3A_44 = tpu.memref_squeeze %dma_start3A_43 : memref<1x128xi32, #tpu.memory_space<hbm>> -> memref<128xi32, #tpu.memory_space<hbm>>
    tpu.enqueue_dma source(%dma_start3A_44 : memref<128xi32, #tpu.memory_space<hbm>>) target(%dma_start3A_42 : memref<128xi32, #tpu.memory_space<vmem>>) target_semaphore(%arg7 : memref<!tpu.dma_semaphore, #tpu.memory_space<semaphore_mem>>)
    %add3A_45 = arith.constant 128 : i32
    %add3A_46 = arith.addi %select_n3A_32, %add3A_45 : i32
    %dma_start3A_47 = arith.constant 1 : i32
    %dma_start3A_48 = arith.constant 0 : i32
    %dma_start3A_49 = tpu.memref_slice %arg5[%dma_start3A_47, %dma_start3A_48] : memref<2x128xi32, #tpu.memory_space<vmem>> -> memref<1x128xi32, #tpu.memory_space<vmem>>
    %dma_start3A_50 = tpu.memref_squeeze %dma_start3A_49 : memref<1x128xi32, #tpu.memory_space<vmem>> -> memref<128xi32, #tpu.memory_space<vmem>>
    %dma_start3A_51 = tpu.memref_slice %arg3[%select_n3A, %add3A_46] : memref<4x2048xi32, #tpu.memory_space<hbm>> -> memref<1x128xi32, #tpu.memory_space<hbm>>
    %dma_start3A_52 = tpu.memref_squeeze %dma_start3A_51 : memref<1x128xi32, #tpu.memory_space<hbm>> -> memref<128xi32, #tpu.memory_space<hbm>>
    %dma_start3A_53 = arith.constant 0 : i32
    %dma_start3A_54 = tpu.memref_slice %arg5[%dma_start3A_47, %dma_start3A_53] : memref<2x128xi32, #tpu.memory_space<vmem>> -> memref<1x128xi32, #tpu.memory_space<vmem>>
    %dma_start3A_55 = tpu.memref_squeeze %dma_start3A_54 : memref<1x128xi32, #tpu.memory_space<vmem>> -> memref<128xi32, #tpu.memory_space<vmem>>
    %dma_start3A_56 = tpu.memref_slice %arg3[%select_n3A, %add3A_46] : memref<4x2048xi32, #tpu.memory_space<hbm>> -> memref<1x128xi32, #tpu.memory_space<hbm>>
    %dma_start3A_57 = tpu.memref_squeeze %dma_start3A_56 : memref<1x128xi32, #tpu.memory_space<hbm>> -> memref<128xi32, #tpu.memory_space<hbm>>
    tpu.enqueue_dma source(%dma_start3A_57 : memref<128xi32, #tpu.memory_space<hbm>>) target(%dma_start3A_55 : memref<128xi32, #tpu.memory_space<vmem>>) target_semaphore(%arg7 : memref<!tpu.dma_semaphore, #tpu.memory_space<semaphore_mem>>)
    %dma_wait3A = arith.constant 0 : i32
    %dma_wait3A_58 = arith.constant 0 : i32
    %dma_wait3A_59 = tpu.memref_slice %arg5[%dma_wait3A, %dma_wait3A_58] : memref<2x128xi32, #tpu.memory_space<vmem>> -> memref<1x128xi32, #tpu.memory_space<vmem>>
    %dma_wait3A_60 = tpu.memref_squeeze %dma_wait3A_59 : memref<1x128xi32, #tpu.memory_space<vmem>> -> memref<128xi32, #tpu.memory_space<vmem>>
    %dma_wait3A_61 = tpu.memref_slice %arg3[%select_n3A, %add3A_34] : memref<4x2048xi32, #tpu.memory_space<hbm>> -> memref<1x128xi32, #tpu.memory_space<hbm>>
    %dma_wait3A_62 = tpu.memref_squeeze %dma_wait3A_61 : memref<1x128xi32, #tpu.memory_space<hbm>> -> memref<128xi32, #tpu.memory_space<hbm>>
    %dma_wait3A_63 = arith.constant 0 : i32
    %dma_wait3A_64 = tpu.memref_slice %arg5[%dma_wait3A, %dma_wait3A_63] : memref<2x128xi32, #tpu.memory_space<vmem>> -> memref<1x128xi32, #tpu.memory_space<vmem>>
    %dma_wait3A_65 = tpu.memref_squeeze %dma_wait3A_64 : memref<1x128xi32, #tpu.memory_space<vmem>> -> memref<128xi32, #tpu.memory_space<vmem>>
    %dma_wait3A_66 = tpu.memref_slice %arg3[%select_n3A, %add3A_34] : memref<4x2048xi32, #tpu.memory_space<hbm>> -> memref<1x128xi32, #tpu.memory_space<hbm>>
    %dma_wait3A_67 = tpu.memref_squeeze %dma_wait3A_66 : memref<1x128xi32, #tpu.memory_space<hbm>> -> memref<128xi32, #tpu.memory_space<hbm>>
    tpu.wait_dma2 semaphore(%arg7 : memref<!tpu.dma_semaphore, #tpu.memory_space<semaphore_mem>>) src(%dma_wait3A_67 : memref<128xi32, #tpu.memory_space<hbm>>) dst(%dma_wait3A_65 : memref<128xi32, #tpu.memory_space<vmem>>)
    %dma_start3A_68 = arith.constant 0 : i32
    %dma_start3A_69 = arith.constant 0 : i32
    %dma_start3A_70 = arith.constant 0 : i32
    %dma_start3A_71 = tpu.memref_slice %arg6[%dma_start3A_69, %dma_start3A_70] : memref<256x128xf32, #tpu.memory_space<vmem>> -> memref<128x128xf32, #tpu.memory_space<vmem>>
    %dma_start3A_72 = arith.constant 0 : i32
    %dma_start3A_73 = tpu.memref_slice %arg5[%dma_start3A_68, %dma_start3A_72] : memref<2x128xi32, #tpu.memory_space<vmem>> -> memref<1x128xi32, #tpu.memory_space<vmem>>
    %dma_start3A_74 = tpu.memref_squeeze %dma_start3A_73 : memref<1x128xi32, #tpu.memory_space<vmem>> -> memref<128xi32, #tpu.memory_space<vmem>>
    %dma_start3A_75 = arith.constant 0 : i32
    %dma_start3A_76 = arith.constant 0 : i32
    %dma_start3A_77 = tpu.memref_slice %arg2[%dma_start3A_75, %dma_start3A_76] : memref<100000x128xf32, #tpu.memory_space<hbm>> -> memref<100000x128xf32, #tpu.memory_space<hbm>>
    tpu.enqueue_indirect_dma source(%dma_start3A_77 : memref<100000x128xf32, #tpu.memory_space<hbm>>) target(%dma_start3A_71 : memref<128x128xf32, #tpu.memory_space<vmem>>) offsets(%dma_start3A_74 : memref<128xi32, #tpu.memory_space<vmem>>) semaphore(%arg8 : memref<!tpu.dma_semaphore, #tpu.memory_space<semaphore_mem>>)
    %dma_wait3A_78 = arith.constant 1 : i32
    %dma_wait3A_79 = arith.constant 0 : i32
    %dma_wait3A_80 = tpu.memref_slice %arg5[%dma_wait3A_78, %dma_wait3A_79] : memref<2x128xi32, #tpu.memory_space<vmem>> -> memref<1x128xi32, #tpu.memory_space<vmem>>
    %dma_wait3A_81 = tpu.memref_squeeze %dma_wait3A_80 : memref<1x128xi32, #tpu.memory_space<vmem>> -> memref<128xi32, #tpu.memory_space<vmem>>
    %dma_wait3A_82 = tpu.memref_slice %arg3[%select_n3A, %add3A_46] : memref<4x2048xi32, #tpu.memory_space<hbm>> -> memref<1x128xi32, #tpu.memory_space<hbm>>
    %dma_wait3A_83 = tpu.memref_squeeze %dma_wait3A_82 : memref<1x128xi32, #tpu.memory_space<hbm>> -> memref<128xi32, #tpu.memory_space<hbm>>
    %dma_wait3A_84 = arith.constant 0 : i32
    %dma_wait3A_85 = tpu.memref_slice %arg5[%dma_wait3A_78, %dma_wait3A_84] : memref<2x128xi32, #tpu.memory_space<vmem>> -> memref<1x128xi32, #tpu.memory_space<vmem>>
    %dma_wait3A_86 = tpu.memref_squeeze %dma_wait3A_85 : memref<1x128xi32, #tpu.memory_space<vmem>> -> memref<128xi32, #tpu.memory_space<vmem>>
    %dma_wait3A_87 = tpu.memref_slice %arg3[%select_n3A, %add3A_46] : memref<4x2048xi32, #tpu.memory_space<hbm>> -> memref<1x128xi32, #tpu.memory_space<hbm>>
    %dma_wait3A_88 = tpu.memref_squeeze %dma_wait3A_87 : memref<1x128xi32, #tpu.memory_space<hbm>> -> memref<128xi32, #tpu.memory_space<hbm>>
    tpu.wait_dma2 semaphore(%arg7 : memref<!tpu.dma_semaphore, #tpu.memory_space<semaphore_mem>>) src(%dma_wait3A_88 : memref<128xi32, #tpu.memory_space<hbm>>) dst(%dma_wait3A_86 : memref<128xi32, #tpu.memory_space<vmem>>)
    %dma_start3A_89 = arith.constant 1 : i32
    %dma_start3A_90 = arith.constant 128 : i32
    %dma_start3A_91 = arith.constant 0 : i32
    %dma_start3A_92 = tpu.memref_slice %arg6[%dma_start3A_90, %dma_start3A_91] : memref<256x128xf32, #tpu.memory_space<vmem>> -> memref<128x128xf32, #tpu.memory_space<vmem>>
    %dma_start3A_93 = arith.constant 0 : i32
    %dma_start3A_94 = tpu.memref_slice %arg5[%dma_start3A_89, %dma_start3A_93] : memref<2x128xi32, #tpu.memory_space<vmem>> -> memref<1x128xi32, #tpu.memory_space<vmem>>
    %dma_start3A_95 = tpu.memref_squeeze %dma_start3A_94 : memref<1x128xi32, #tpu.memory_space<vmem>> -> memref<128xi32, #tpu.memory_space<vmem>>
    %dma_start3A_96 = arith.constant 0 : i32
    %dma_start3A_97 = arith.constant 0 : i32
    %dma_start3A_98 = tpu.memref_slice %arg2[%dma_start3A_96, %dma_start3A_97] : memref<100000x128xf32, #tpu.memory_space<hbm>> -> memref<100000x128xf32, #tpu.memory_space<hbm>>
    tpu.enqueue_indirect_dma source(%dma_start3A_98 : memref<100000x128xf32, #tpu.memory_space<hbm>>) target(%dma_start3A_92 : memref<128x128xf32, #tpu.memory_space<vmem>>) offsets(%dma_start3A_95 : memref<128xi32, #tpu.memory_space<vmem>>) semaphore(%arg8 : memref<!tpu.dma_semaphore, #tpu.memory_space<semaphore_mem>>)
    %dma_wait3A_99 = arith.constant 0 : i32
    %dma_wait3A_100 = arith.constant 0 : i32
    %dma_wait3A_101 = arith.constant 0 : i32
    %dma_wait3A_102 = tpu.memref_slice %arg6[%dma_wait3A_100, %dma_wait3A_101] : memref<256x128xf32, #tpu.memory_space<vmem>> -> memref<128x128xf32, #tpu.memory_space<vmem>>
    %dma_wait3A_103 = arith.constant 0 : i32
    %dma_wait3A_104 = tpu.memref_slice %arg5[%dma_wait3A_99, %dma_wait3A_103] : memref<2x128xi32, #tpu.memory_space<vmem>> -> memref<1x128xi32, #tpu.memory_space<vmem>>
    %dma_wait3A_105 = tpu.memref_squeeze %dma_wait3A_104 : memref<1x128xi32, #tpu.memory_space<vmem>> -> memref<128xi32, #tpu.memory_space<vmem>>
    %dma_wait3A_106 = arith.constant 0 : i32
    %dma_wait3A_107 = arith.constant 0 : i32
    %dma_wait3A_108 = tpu.memref_slice %arg2[%dma_wait3A_106, %dma_wait3A_107] : memref<100000x128xf32, #tpu.memory_space<hbm>> -> memref<100000x128xf32, #tpu.memory_space<hbm>>
    tpu.wait_indirect_dma semaphore(%arg8 : memref<!tpu.dma_semaphore, #tpu.memory_space<semaphore_mem>>) src(%dma_wait3A_108 : memref<100000x128xf32, #tpu.memory_space<hbm>>) dst(%dma_wait3A_102 : memref<128x128xf32, #tpu.memory_space<vmem>>)
    %add3A_109 = arith.constant 0 : i32
    %add3A_110 = arith.addi %mul3A_2, %add3A_109 : i32
    %dma_start3A_111 = arith.constant 0 : i32
    %dma_start3A_112 = arith.constant 0 : i32
    %dma_start3A_113 = tpu.memref_slice %arg6[%dma_start3A_111, %dma_start3A_112] : memref<256x128xf32, #tpu.memory_space<vmem>> -> memref<128x128xf32, #tpu.memory_space<vmem>>
    %dma_start3A_114 = arith.constant 0 : i32
    %dma_start3A_115 = tpu.memref_slice %arg4[%add3A_110, %dma_start3A_114] : memref<8192x128xf32, #tpu.memory_space<hbm>> -> memref<128x128xf32, #tpu.memory_space<hbm>>
    %dma_start3A_116 = arith.constant 0 : i32
    %dma_start3A_117 = tpu.memref_slice %arg4[%add3A_110, %dma_start3A_116] : memref<8192x128xf32, #tpu.memory_space<hbm>> -> memref<128x128xf32, #tpu.memory_space<hbm>>
    %dma_start3A_118 = arith.constant 0 : i32
    %dma_start3A_119 = arith.constant 0 : i32
    %dma_start3A_120 = tpu.memref_slice %arg6[%dma_start3A_118, %dma_start3A_119] : memref<256x128xf32, #tpu.memory_space<vmem>> -> memref<128x128xf32, #tpu.memory_space<vmem>>
    tpu.enqueue_dma source(%dma_start3A_120 : memref<128x128xf32, #tpu.memory_space<vmem>>) target(%dma_start3A_117 : memref<128x128xf32, #tpu.memory_space<hbm>>) target_semaphore(%arg9 : memref<!tpu.dma_semaphore, #tpu.memory_space<semaphore_mem>>)
    %dma_wait3A_121 = arith.constant 1 : i32
    %dma_wait3A_122 = arith.constant 128 : i32
    %dma_wait3A_123 = arith.constant 0 : i32
    %dma_wait3A_124 = tpu.memref_slice %arg6[%dma_wait3A_122, %dma_wait3A_123] : memref<256x128xf32, #tpu.memory_space<vmem>> -> memref<128x128xf32, #tpu.memory_space<vmem>>
    %dma_wait3A_125 = arith.constant 0 : i32
    %dma_wait3A_126 = tpu.memref_slice %arg5[%dma_wait3A_121, %dma_wait3A_125] : memref<2x128xi32, #tpu.memory_space<vmem>> -> memref<1x128xi32, #tpu.memory_space<vmem>>
    %dma_wait3A_127 = tpu.memref_squeeze %dma_wait3A_126 : memref<1x128xi32, #tpu.memory_space<vmem>> -> memref<128xi32, #tpu.memory_space<vmem>>
    %dma_wait3A_128 = arith.constant 0 : i32
    %dma_wait3A_129 = arith.constant 0 : i32
    %dma_wait3A_130 = tpu.memref_slice %arg2[%dma_wait3A_128, %dma_wait3A_129] : memref<100000x128xf32, #tpu.memory_space<hbm>> -> memref<100000x128xf32, #tpu.memory_space<hbm>>
    tpu.wait_indirect_dma semaphore(%arg8 : memref<!tpu.dma_semaphore, #tpu.memory_space<semaphore_mem>>) src(%dma_wait3A_130 : memref<100000x128xf32, #tpu.memory_space<hbm>>) dst(%dma_wait3A_124 : memref<128x128xf32, #tpu.memory_space<vmem>>)
    %add3A_131 = arith.constant 128 : i32
    %add3A_132 = arith.addi %mul3A_2, %add3A_131 : i32
    %dma_start3A_133 = arith.constant 128 : i32
    %dma_start3A_134 = arith.constant 0 : i32
    %dma_start3A_135 = tpu.memref_slice %arg6[%dma_start3A_133, %dma_start3A_134] : memref<256x128xf32, #tpu.memory_space<vmem>> -> memref<128x128xf32, #tpu.memory_space<vmem>>
    %dma_start3A_136 = arith.constant 0 : i32
    %dma_start3A_137 = tpu.memref_slice %arg4[%add3A_132, %dma_start3A_136] : memref<8192x128xf32, #tpu.memory_space<hbm>> -> memref<128x128xf32, #tpu.memory_space<hbm>>
    %dma_start3A_138 = arith.constant 0 : i32
    %dma_start3A_139 = tpu.memref_slice %arg4[%add3A_132, %dma_start3A_138] : memref<8192x128xf32, #tpu.memory_space<hbm>> -> memref<128x128xf32, #tpu.memory_space<hbm>>
    %dma_start3A_140 = arith.constant 128 : i32
    %dma_start3A_141 = arith.constant 0 : i32
    %dma_start3A_142 = tpu.memref_slice %arg6[%dma_start3A_140, %dma_start3A_141] : memref<256x128xf32, #tpu.memory_space<vmem>> -> memref<128x128xf32, #tpu.memory_space<vmem>>
    tpu.enqueue_dma source(%dma_start3A_142 : memref<128x128xf32, #tpu.memory_space<vmem>>) target(%dma_start3A_139 : memref<128x128xf32, #tpu.memory_space<hbm>>) target_semaphore(%arg9 : memref<!tpu.dma_semaphore, #tpu.memory_space<semaphore_mem>>)
    %dma_wait3A_143 = arith.constant 0 : i32
    %dma_wait3A_144 = arith.constant 0 : i32
    %dma_wait3A_145 = tpu.memref_slice %arg6[%dma_wait3A_143, %dma_wait3A_144] : memref<256x128xf32, #tpu.memory_space<vmem>> -> memref<128x128xf32, #tpu.memory_space<vmem>>
    %dma_wait3A_146 = arith.constant 0 : i32
    %dma_wait3A_147 = tpu.memref_slice %arg4[%add3A_110, %dma_wait3A_146] : memref<8192x128xf32, #tpu.memory_space<hbm>> -> memref<128x128xf32, #tpu.memory_space<hbm>>
    %dma_wait3A_148 = arith.constant 0 : i32
    %dma_wait3A_149 = tpu.memref_slice %arg4[%add3A_110, %dma_wait3A_148] : memref<8192x128xf32, #tpu.memory_space<hbm>> -> memref<128x128xf32, #tpu.memory_space<hbm>>
    %dma_wait3A_150 = arith.constant 0 : i32
    %dma_wait3A_151 = arith.constant 0 : i32
    %dma_wait3A_152 = tpu.memref_slice %arg6[%dma_wait3A_150, %dma_wait3A_151] : memref<256x128xf32, #tpu.memory_space<vmem>> -> memref<128x128xf32, #tpu.memory_space<vmem>>
    tpu.wait_dma2 semaphore(%arg9 : memref<!tpu.dma_semaphore, #tpu.memory_space<semaphore_mem>>) src(%dma_wait3A_152 : memref<128x128xf32, #tpu.memory_space<vmem>>) dst(%dma_wait3A_149 : memref<128x128xf32, #tpu.memory_space<hbm>>)
    %dma_wait3A_153 = arith.constant 128 : i32
    %dma_wait3A_154 = arith.constant 0 : i32
    %dma_wait3A_155 = tpu.memref_slice %arg6[%dma_wait3A_153, %dma_wait3A_154] : memref<256x128xf32, #tpu.memory_space<vmem>> -> memref<128x128xf32, #tpu.memory_space<vmem>>
    %dma_wait3A_156 = arith.constant 0 : i32
    %dma_wait3A_157 = tpu.memref_slice %arg4[%add3A_132, %dma_wait3A_156] : memref<8192x128xf32, #tpu.memory_space<hbm>> -> memref<128x128xf32, #tpu.memory_space<hbm>>
    %dma_wait3A_158 = arith.constant 0 : i32
    %dma_wait3A_159 = tpu.memref_slice %arg4[%add3A_132, %dma_wait3A_158] : memref<8192x128xf32, #tpu.memory_space<hbm>> -> memref<128x128xf32, #tpu.memory_space<hbm>>
    %dma_wait3A_160 = arith.constant 128 : i32
    %dma_wait3A_161 = arith.constant 0 : i32
    %dma_wait3A_162 = tpu.memref_slice %arg6[%dma_wait3A_160, %dma_wait3A_161] : memref<256x128xf32, #tpu.memory_space<vmem>> -> memref<128x128xf32, #tpu.memory_space<vmem>>
    tpu.wait_dma2 semaphore(%arg9 : memref<!tpu.dma_semaphore, #tpu.memory_space<semaphore_mem>>) src(%dma_wait3A_162 : memref<128x128xf32, #tpu.memory_space<vmem>>) dst(%dma_wait3A_159 : memref<128x128xf32, #tpu.memory_space<hbm>>)
    return
  }
}

module attributes {stable_mosaic.version = 14 : i64} {
  func.func @body(%arg0: i32, %arg1: memref<1024x128xf32, #tpu.memory_space<vmem>>, %arg2: memref<1024x1xf32, #tpu.memory_space<vmem>>, %arg3: memref<2x128xf32, #tpu.memory_space<vmem>>, %arg4: memref<1024x128xf32, #tpu.memory_space<vmem>>, %arg5: memref<1x128xf32, #tpu.memory_space<vmem>>, %arg6: memref<1x128xf32, #tpu.memory_space<vmem>>, %arg7: memref<128x2048xf32, #tpu.memory_space<vmem>>, %arg8: memref<1x2048xf32, #tpu.memory_space<vmem>>, %arg9: memref<1024x2048xf32, #tpu.memory_space<vmem>>) attributes {dimension_semantics = [#tpu.dimension_semantics<arbitrary>], iteration_bounds = array<i64: 8>, scalar_prefetch = 0 : i64, scratch_operands = 0 : i64, tpu.core_type = #tpu.core_type<tc>, window_params = [{transform_indices = @transform_0, window_bounds = array<i64: 1024, 128>}, {transform_indices = @transform_1, window_bounds = array<i64: 1024, 1>}, {pipeline_mode = #tpu.pipeline_mode<synchronous>, transform_indices = @transform_2, window_bounds = array<i64: 2, 128>}, {transform_indices = @transform_3, window_bounds = array<i64: 1024, 128>}, {pipeline_mode = #tpu.pipeline_mode<synchronous>, transform_indices = @transform_4, window_bounds = array<i64: 1, 128>}, {pipeline_mode = #tpu.pipeline_mode<synchronous>, transform_indices = @transform_5, window_bounds = array<i64: 1, 128>}, {pipeline_mode = #tpu.pipeline_mode<synchronous>, transform_indices = @transform_6, window_bounds = array<i64: 128, 2048>}, {pipeline_mode = #tpu.pipeline_mode<synchronous>, transform_indices = @transform_7, window_bounds = array<i64: 1, 2048>}, {transform_indices = @transform_8, window_bounds = array<i64: 1024, 2048>}]} {
    %get3A = arith.constant 0 : index
    %get3A_0 = arith.constant 0 : index
    %get3A_1 = vector.load %arg1[%get3A, %get3A_0] : memref<1024x128xf32, #tpu.memory_space<vmem>>, vector<1024x128xf32>
    %get3A_2 = arith.constant 0 : index
    %get3A_3 = arith.constant 0 : index
    %get3A_4 = vector.load %arg2[%get3A_2, %get3A_3] : memref<1024x1xf32, #tpu.memory_space<vmem>>, vector<1024x1xf32>
    %get3A_5 = arith.constant 0 : index
    %get3A_6 = arith.constant 0 : index
    %get3A_7 = vector.load %arg3[%get3A_5, %get3A_6] : memref<2x128xf32, #tpu.memory_space<vmem>>, vector<1x128xf32>
    %get3A_8 = arith.constant 1 : index
    %get3A_9 = arith.constant 0 : index
    %get3A_10 = vector.load %arg3[%get3A_8, %get3A_9] : memref<2x128xf32, #tpu.memory_space<vmem>>, vector<1x128xf32>
    %sub3A = arith.subf %get3A_10, %get3A_7 : vector<1x128xf32>
    %mul3A = vector.broadcast %get3A_4 : vector<1024x1xf32> to vector<1024x128xf32>
    %mul3A_11 = vector.broadcast %sub3A : vector<1x128xf32> to vector<1024x128xf32>
    %mul3A_12 = arith.mulf %mul3A, %mul3A_11 : vector<1024x128xf32>
    %add3A = vector.broadcast %get3A_7 : vector<1x128xf32> to vector<1024x128xf32>
    %add3A_13 = arith.addf %add3A, %mul3A_12 : vector<1024x128xf32>
    %add3A_14 = arith.addf %get3A_1, %add3A_13 : vector<1024x128xf32>
    %get3A_15 = arith.constant 0 : index
    %get3A_16 = arith.constant 0 : index
    %get3A_17 = vector.load %arg4[%get3A_15, %get3A_16] : memref<1024x128xf32, #tpu.memory_space<vmem>>, vector<1024x128xf32>
    %add3A_18 = arith.addf %add3A_14, %get3A_17 : vector<1024x128xf32>
    %reduce_sum3A = arith.constant dense<0.000000e+00> : vector<1024xf32>
    %reduce_sum3A_19 = vector.multi_reduction <add>, %add3A_18, %reduce_sum3A [1] : vector<1024x128xf32> to vector<1024xf32>
    %broadcast_in_dim3A = vector.shape_cast %reduce_sum3A_19 : vector<1024xf32> to vector<1024x1xf32>
    %div3A = arith.constant 1.280000e+02 : f32
    %div3A_20 = vector.broadcast %div3A : f32 to vector<1024x1xf32>
    %div3A_21 = arith.divf %broadcast_in_dim3A, %div3A_20 : vector<1024x1xf32>
    %sub3A_22 = vector.broadcast %div3A_21 : vector<1024x1xf32> to vector<1024x128xf32>
    %sub3A_23 = arith.subf %add3A_18, %sub3A_22 : vector<1024x128xf32>
    %mul3A_24 = arith.mulf %sub3A_23, %sub3A_23 : vector<1024x128xf32>
    %reduce_sum3A_25 = arith.constant dense<0.000000e+00> : vector<1024xf32>
    %reduce_sum3A_26 = vector.multi_reduction <add>, %mul3A_24, %reduce_sum3A_25 [1] : vector<1024x128xf32> to vector<1024xf32>
    %broadcast_in_dim3A_27 = vector.shape_cast %reduce_sum3A_26 : vector<1024xf32> to vector<1024x1xf32>
    %div3A_28 = arith.constant 1.280000e+02 : f32
    %div3A_29 = vector.broadcast %div3A_28 : f32 to vector<1024x1xf32>
    %div3A_30 = arith.divf %broadcast_in_dim3A_27, %div3A_29 : vector<1024x1xf32>
    %add3A_31 = arith.constant 9.99999996E-13 : f32
    %add3A_32 = vector.broadcast %add3A_31 : f32 to vector<1024x1xf32>
    %add3A_33 = arith.addf %div3A_30, %add3A_32 : vector<1024x1xf32>
    %rsqrt3A = math.rsqrt %add3A_33 : vector<1024x1xf32>
    %mul3A_34 = vector.broadcast %rsqrt3A : vector<1024x1xf32> to vector<1024x128xf32>
    %mul3A_35 = arith.mulf %sub3A_23, %mul3A_34 : vector<1024x128xf32>
    %get3A_36 = arith.constant 0 : index
    %get3A_37 = arith.constant 0 : index
    %get3A_38 = vector.load %arg5[%get3A_36, %get3A_37] : memref<1x128xf32, #tpu.memory_space<vmem>>, vector<1x128xf32>
    %mul3A_39 = vector.broadcast %get3A_38 : vector<1x128xf32> to vector<1024x128xf32>
    %mul3A_40 = arith.mulf %mul3A_35, %mul3A_39 : vector<1024x128xf32>
    %get3A_41 = arith.constant 0 : index
    %get3A_42 = arith.constant 0 : index
    %get3A_43 = vector.load %arg6[%get3A_41, %get3A_42] : memref<1x128xf32, #tpu.memory_space<vmem>>, vector<1x128xf32>
    %add3A_44 = vector.broadcast %get3A_43 : vector<1x128xf32> to vector<1024x128xf32>
    %add3A_45 = arith.addf %mul3A_40, %add3A_44 : vector<1024x128xf32>
    %get3A_46 = arith.constant 0 : index
    %get3A_47 = arith.constant 0 : index
    %get3A_48 = vector.load %arg7[%get3A_46, %get3A_47] : memref<128x2048xf32, #tpu.memory_space<vmem>>, vector<128x2048xf32>
    %dot_general3A = arith.constant dense<0.000000e+00> : vector<1024x2048xf32>
    %dot_general3A_49 = tpu.matmul %add3A_45, %get3A_48, %dot_general3A {dimension_numbers = #tpu.dot_dimension_numbers<[1], [0], [0], [1], [0, 0, 1, 1], [], []>, transpose_lhs_hint = false} : vector<1024x128xf32>, vector<128x2048xf32>, vector<1024x2048xf32> -> vector<1024x2048xf32>
    %get3A_50 = arith.constant 0 : index
    %get3A_51 = arith.constant 0 : index
    %get3A_52 = vector.load %arg8[%get3A_50, %get3A_51] : memref<1x2048xf32, #tpu.memory_space<vmem>>, vector<1x2048xf32>
    %add3A_53 = vector.broadcast %get3A_52 : vector<1x2048xf32> to vector<1024x2048xf32>
    %add3A_54 = arith.addf %dot_general3A_49, %add3A_53 : vector<1024x2048xf32>
    %swap3A = arith.constant 0 : index
    %swap3A_55 = arith.constant 0 : index
    %swap3A_56 = vector.load %arg9[%swap3A, %swap3A_55] : memref<1024x2048xf32, #tpu.memory_space<vmem>>, vector<1024x2048xf32>
    tpu.vector_store %arg9[%swap3A, %swap3A_55], %add3A_54 {strides = array<i32>} : memref<1024x2048xf32, #tpu.memory_space<vmem>>, vector<1024x2048xf32>,
    return
  }
  func.func @transform_0(%arg0: i32) -> (i32, i32) {
    %c0_i32 = arith.constant 0 : i32
    %c0_i32_0 = arith.constant 0 : i32
    return %arg0, %c0_i32 : i32, i32
  }
  func.func @transform_1(%arg0: i32) -> (i32, i32) {
    %c0_i32 = arith.constant 0 : i32
    %c0_i32_0 = arith.constant 0 : i32
    return %arg0, %c0_i32 : i32, i32
  }
  func.func @transform_2(%arg0: i32) -> (i32, i32) {
    %c0_i32 = arith.constant 0 : i32
    %c0_i32_0 = arith.constant 0 : i32
    %c0_i32_1 = arith.constant 0 : i32
    return %c0_i32, %c0_i32_0 : i32, i32
  }
  func.func @transform_3(%arg0: i32) -> (i32, i32) {
    %jit3A = arith.constant 2 : i32
    %eq3A = arith.constant 0 : i32
    %eq3A_0 = arith.cmpi eq, %jit3A, %eq3A : i32
    %jit3A_1 = arith.constant 1 : i32
    %select_n3A = arith.select %eq3A_0, %jit3A_1, %jit3A : i32
    %rem3A = arith.remsi %arg0, %select_n3A : i32
    %ne3A = arith.constant 0 : i32
    %ne3A_2 = arith.cmpi ne, %rem3A, %ne3A : i32
    %lt3A = arith.constant 0 : i32
    %lt3A_3 = arith.cmpi slt, %rem3A, %lt3A : i32
    %lt3A_4 = arith.constant 0 : i32
    %lt3A_5 = arith.cmpi slt, %select_n3A, %lt3A_4 : i32
    %ne3A_6 = arith.xori %lt3A_3, %lt3A_5 : i1
    %and3A = arith.andi %ne3A_6, %ne3A_2 : i1
    %add3A = arith.addi %rem3A, %select_n3A : i32
    %select_n3A_7 = arith.select %and3A, %add3A, %rem3A : i32
    %c0_i32 = arith.constant 0 : i32
    %c0_i32_8 = arith.constant 0 : i32
    return %select_n3A_7, %c0_i32 : i32, i32
  }
  func.func @transform_4(%arg0: i32) -> (i32, i32) {
    %c0_i32 = arith.constant 0 : i32
    %c0_i32_0 = arith.constant 0 : i32
    %c0_i32_1 = arith.constant 0 : i32
    return %c0_i32, %c0_i32_0 : i32, i32
  }
  func.func @transform_5(%arg0: i32) -> (i32, i32) {
    %c0_i32 = arith.constant 0 : i32
    %c0_i32_0 = arith.constant 0 : i32
    %c0_i32_1 = arith.constant 0 : i32
    return %c0_i32, %c0_i32_0 : i32, i32
  }
  func.func @transform_6(%arg0: i32) -> (i32, i32) {
    %c0_i32 = arith.constant 0 : i32
    %c0_i32_0 = arith.constant 0 : i32
    %c0_i32_1 = arith.constant 0 : i32
    return %c0_i32, %c0_i32_0 : i32, i32
  }
  func.func @transform_7(%arg0: i32) -> (i32, i32) {
    %c0_i32 = arith.constant 0 : i32
    %c0_i32_0 = arith.constant 0 : i32
    %c0_i32_1 = arith.constant 0 : i32
    return %c0_i32, %c0_i32_0 : i32, i32
  }
  func.func @transform_8(%arg0: i32) -> (i32, i32) {
    %c0_i32 = arith.constant 0 : i32
    %c0_i32_0 = arith.constant 0 : i32
    return %arg0, %c0_i32 : i32, i32
  }
}

</mosaic_0001>

<sc_bundles>
// kernel: kernel.4.cloned.1.call-start
scs
__scs_entry_jumppad:
0x0: {  	(pc) =	sbr.rel $0x88, $3  }
0x1: {  	(tag) =	ssettag $0x0;
	lr =	simm.s32 $0x1  }
0x2: {  	[smem:$0x3F98] =	sst lr;
	_ =	strace $0xD0000000  }
0x3: {  	_ = 	snop  }
0x4: {  	_ = 	snop  }
0x5: {  	_ = 	snop  }
0x6: {  	_ = 	snop  }
0x7: {  	_ = 	snop  }
__scs_overlays_trampoline_lowered:
0x8: {  	[smem:$0x3FA7] =	sst s0  }
0x9: {  	[smem:$0x3FA8] =	sst s1  }
0xa: {  	[smem:$0x3FA9] =	sst s2  }
0xb: {  	[smem:$0x3FAA] =	sst s3  }
0xc: {  	[smem:$0x3FAB] =	sst s4  }
0xd: {  	[smem:$0x3FAC] =	sst s5  }
0xe: {  	[smem:$0x3FAD] =	sst s6  }
0xf: {  	[smem:$0x3FAE] =	sst s7  }
0x10: {  	[smem:$0x3FAF] =	sst s8  }
0x11: {  	[smem:$0x3FB0] =	sst s9;
	s0 =	simm.s32 @!p0 $0x0  }
0x12: {  	s1 =	sld [smem:$0x3F96];
	s0 =	simm.s32 @p0 $0x1  }
0x13: {  	[smem:$0x3FB1] =	sst s0;
	s0 =	simm.s32 @!p1 $0x0  }
0x14: {  	s2 =	sld [smem:$0x3F95];
	s0 =	simm.s32 @p1 $0x1  }
0x15: {  	[smem:$0x3FB2] =	sst s0;
	s0 =	simm.s32 @!p2 $0x0  }
0x16: {  	s3 =	sld [smem:$0x3FDB];
	s0 =	simm.s32 @p2 $0x1  }
0x17: {  	s4 =	simm.s32 $0x1BF5;
	[smem:$0x3FB4] =	sst s0  }
0x18: {  	s0 =	sld [smem:$0x3F97];
	_ =	swait.ge [sflag:s4], $0x0  }
0x19: {  	s7 =	sld [smem:$0x3F98]  }
0x1a: {  	s8 =	sadd.s32 $0xFFFFE003, lr  }
0x1b: {  	s9 =	sadd.s32 $0xFFFFFEF7, lr;
	s5 =	simm.s32 $0xFFFFFFFF;
	p2 =	slt.u32 s8, $0xFFFFF086  }
0x1c: {  	p1 =	slt.u32 s9, $0xF7A;
	s5 =	simm.s32 @!p2 $0x0  }
0x1d: {  	s5 =	simm.s32 @p1 $0x1;
	p0 =	seq.s32 s7, s2  }
0x1e: {  	s7 =	smul.u32 @!p0 $0xF7A, s2;
	p2 =	seq.s32 @!p0 s5, $0x0  }
0x1f: {  	s9 =	smul.u32 $0xF7A, s1;
	s8 =	simm.s32 @!p0 $0x1BF5;
	p2 =	por !p2, p0  }
0x20: {  	[sflag:s8] =	ssyncset.s32 @!p0 $0xFFFFF086;
	s6 =	sadd.s32 @!p0 s3, s7;
	s7 =	simm.s32 @!p0 $0x108  }
0x21: {  	s3 =	sadd.s32 s3, s9;
	s6 =	sadd.s32 @!p0 $0x88, s6;
	s7 =	simm.s32 @p2 $0x1082  }
0x22: {  	[simem:s7], [sflag:s8] =	dma.local @!p0 [hbm:s6], $0xF7A  }
0x23: {  	s9 =	sor.u32 $0xD0000000, s2;
	s6 =	simm.s32 $0x108;
	_ =	swait.ge @!p0 [sflag:s8], $0x0  }
0x24: {  	s3 =	sadd.s32 $0x88, s3;
	s6 =	simm.s32 @!p1 $0x1082;
	[sflag:s4] =	ssyncset.s32 $0xFFFFF086  }
0x25: {  	[simem:s6], [sflag:s4] =	dma.local [hbm:s3], $0xF7A  }
0x26: {  	[smem:$0x3F98] =	sst s1;
	(tag) =	ssettag s2;
	_ =	strace s9  }
0x27: {  	s1 =	sld [smem:$0x3FA8]  }
0x28: {  	s2 =	sld [smem:$0x3FA9]  }
0x29: {  	s4 =	sld [smem:$0x3FAB]  }
0x2a: {  	p0 =	seq.s32 s5, $0x0;
	s5 =	sld [smem:$0x3FAC]  }
0x2b: {  	s6 =	sld [smem:$0x3FAD]  }
0x2c: {  	s7 =	sld [smem:$0x3FAE]  }
0x2d: {  	s3 =	simm.s32 $0x108;
	s8 =	sld [smem:$0x3FAF]  }
0x2e: {  	s3 =	simm.s32 @!p0 $0x1082;
	s9 =	sld [smem:$0x3FB0]  }
0x2f: {  	lr =	sadd.s32 s0, s3;
	s0 =	sld [smem:$0x3FA7]  }
0x30: {  	s3 =	sld [smem:$0x3FAA]  }
0x31: {  	[smem:$0x3FB3] =	sst s10  }
0x32: {  	s10 =	sld [smem:$0x3FB1];
	_ =	sdelay $0x3  }
0x33: {  	p0 =	seq.s32 s10, $0x1;
	s10 =	sld [smem:$0x3FB3];
	_ =	sdelay $0x3  }
0x34: {  	[smem:$0x3FB3] =	sst s10  }
0x35: {  	s10 =	sld [smem:$0x3FB2];
	_ =	sdelay $0x3  }
0x36: {  	p1 =	seq.s32 s10, $0x1;
	s10 =	sld [smem:$0x3FB3];
	_ =	sdelay $0x3  }
0x37: {  	[smem:$0x3FB3] =	sst s10  }
0x38: {  	s10 =	sld [smem:$0x3FB4]  }
0x39: {  	_ = 	snop;
	(pc) =	sbr.ind lr, $3  }
0x3a: {  	_ = 	snop  }
0x3b: {  	_ = 	snop  }
0x3c: {  	p2 =	seq.s32 s10, $0x1;
	s10 =	sld [smem:$0x3FB3]  }
0x3d: {  	_ =	shalt  }
0x3e: {  	_ =	shalt  }
0x3f: {  	_ =	shalt  }
0x40: {  	_ =	shalt  }
0x41: {  	_ =	shalt  }
0x42: {  	_ =	shalt  }
0x43: {  	_ =	shalt  }
0x44: {  	_ =	shalt  }
0x45: {  	_ =	shalt  }
0x46: {  	_ =	shalt  }
0x47: {  	_ =	shalt  }
0x48: {  	_ =	shalt  }
0x49: {  	_ =	shalt  }
0x4a: {  	_ =	shalt  }
0x4b: {  	_ =	shalt  }
0x4c: {  	_ =	shalt  }
0x4d: {  	_ =	shalt  }
0x4e: {  	_ =	shalt  }
0x4f: {  	_ =	shalt  }
0x50: {  	_ =	shalt  }
0x51: {  	_ =	shalt  }
0x52: {  	_ =	shalt  }
0x53: {  	_ =	shalt  }
0x54: {  	_ =	shalt  }
0x55: {  	_ =	shalt  }
0x56: {  	_ =	shalt  }
0x57: {  	_ =	shalt  }
0x58: {  	_ =	shalt  }
0x59: {  	_ =	shalt  }
0x5a: {  	_ =	shalt  }
0x5b: {  	_ =	shalt  }
0x5c: {  	_ =	shalt  }
0x5d: {  	_ =	shalt  }
0x5e: {  	_ =	shalt  }
0x5f: {  	_ =	shalt  }
0x60: {  	_ =	shalt  }
0x61: {  	_ =	shalt  }
0x62: {  	_ =	shalt  }
0x63: {  	_ =	shalt  }
0x64: {  	_ =	shalt  }
0x65: {  	_ =	shalt  }
0x66: {  	_ =	shalt  }
0x67: {  	_ =	shalt  }
0x68: {  	_ =	shalt  }
0x69: {  	_ =	shalt  }
0x6a: {  	_ =	shalt  }
0x6b: {  	_ =	shalt  }
0x6c: {  	_ =	shalt  }
0x6d: {  	_ =	shalt  }
0x6e: {  	_ =	shalt  }
0x6f: {  	_ =	shalt  }
0x70: {  	_ =	shalt  }
0x71: {  	_ =	shalt  }
0x72: {  	_ =	shalt  }
0x73: {  	_ =	shalt  }
0x74: {  	_ =	shalt  }
0x75: {  	_ =	shalt  }
0x76: {  	_ =	shalt  }
0x77: {  	_ =	shalt  }
0x78: {  	_ =	shalt  }
0x79: {  	_ =	shalt  }
0x7a: {  	_ =	shalt  }
0x7b: {  	_ =	shalt  }
0x7c: {  	_ =	shalt  }
0x7d: {  	_ =	shalt  }
0x7e: {  	_ =	shalt  }
0x7f: {  	_ =	shalt  }
0x80: {  	_ =	shalt  }
0x81: {  	_ =	shalt  }
0x82: {  	_ =	shalt  }
0x83: {  	_ =	shalt  }
0x84: {  	_ =	shalt  }
0x85: {  	_ =	shalt  }
0x86: {  	_ =	shalt  }
0x87: {  	_ =	shalt  }
.Lfunc_end0:
.L_simem_size_0:
called_computation_lowered:
.L_overlay_start_0:
0x88: {  	s2 =	sld [smem:$0x3FD9]  }
0x89: {  	s3 =	sld [smem:$0x3FFE];
	_ =	sdelay $0x1  }
0x8a: {  	s1 =	srdreg.scid  }
0x8b: {  	s0 =	sand.u32 $0x1, s1  }
0x8c: {  	s18 =	sshll.u32 s0, $0xA;
	s2 =	sadd.s32 s3, s2  }
0x8d: {  	s2 =	sadd.s32 s2, s18  }
0x8e: {  	[smem:$0x3FBF] =	sst s2  }
0x8f: {  	_ = 	snop  }
0x90: {  	s2 =	sld [smem:$0x3FC9]  }
0x91: {  	s19 =	sld [smem:$0x3FC7]  }
0x92: {  	s4 =	sld [smem:$0x3FD0];
	(tm) =	ssettm $0x1  }
0x93: {  	s5 =	sld [smem:$0x3FFB];
	_ =	sdelay $0x3  }
0x94: {  	_ =	strace s5  }
0x95: {  	s5 =	sld [smem:$0x3FFC];
	_ =	sdelay $0x3  }
0x96: {  	_ =	strace s5  }
0x97: {  	s5 =	sld [smem:$0x3FFD];
	_ =	sdelay $0x3  }
0x98: {  	_ =	strace s5  }
0x99: {  	_ =	strace $0x8FFFFFFF  }
0x9a: {  	s20 =	sld [smem:$0x3FDB];
	_ =	sdelay $0x1  }
0x9b: {  	s6 =	simm.s32 $_scs_section_size  }
0x9c: {  	s7 =	simm.s32 $_size__tile_overlayer_lowered;
	s8 =	simm.s32 $_tile_overlayer_lowered  }
0x9d: {  	s23 =	simm.s32 $0x1BFF;
	s22 =	sshll.u32 s8, $0x1;
	s5 =	sadd.s32 s6, s20  }
0x9e: {  	s9 =	simm.s32 $0x0;
	s21 =	sshll.u32 s7, $0x1;
	s7 =	sadd.s32 s22, s5  }
0x9f: {  	[timem:s9], [sflag:s23] =	dma.local [hbm:s7], s21  }
0xa0: {  	_ =	swait.ge [sflag:s23], s21  }
0xa1: {  	s6 =	ssub.s32 $0x0, s21;
	[sflag:s23] =	ssyncset.done $0x0  }
0xa2: {  	[sflag:s23] =	ssyncadd.s32 s6;
	_ =	sdelay $0x1  }
0xa3: {  	s24 =	simm.s32 $0x1B8B  }
0xa4: {  	_ =	swait.ge [sflag:s24], $0x1  }
0xa5: {  	[sflag:s24] =	ssyncset.done $0x0  }
0xa6: {  	s25 =	simm.s32 $0x1B8E;
	[sflag:s24] =	ssyncadd.s32 $0xFFFFFFFF  }
0xa7: {  	s26 =	simm.s32 $execute0_lowered;
	[smem:$0x3FD2] =	sst s25  }
0xa8: {  	s6 =	sshll.u32 s26, $0x1;
	_ =	strace $0x80000046;
	[dreg:$0x1] =	wrdreg $0xFFFFFFFF  }
0xa9: {  	s28 =	simm.s32 $_size_execute0_lowered;
	s5 =	sadd.s32 s5, s6;
	[dreg:$0x0] =	wrdreg $0x0  }
0xaa: {  	s6 =	sshll.u32 s28, $0x1;
	[dreg:$0x2] =	wrdreg s5  }
0xab: {  	[dreg:$0x3] =	wrdreg s6  }
0xac: {  	[dreg:$0x4] =	wrdreg $0xC0  }
0xad: {  	_ =	task [dreg:s9], $0x5FFFF  }
0xae: {  	[dreg:$0x1] =	wrdreg $0xFFFFFFFF  }
0xaf: {  	[dreg:$0x0] =	wrdreg $0x60  }
0xb0: {  	[dreg:$0x2] =	wrdreg s19  }
0xb1: {  	[dreg:$0x3] =	wrdreg s2  }
0xb2: {  	[dreg:$0x4] =	wrdreg s4  }
0xb3: {  	[dreg:$0x5] =	wrdreg $0x9  }
0xb4: {  	_ =	task.clear_ibuf [dreg:s9], $0x6FFFF;
	_ =	strace $0x90000046  }
0xb5: {  	s29 =	simm.s32 $0x9;
	_ =	strace $0x80000048  }
0xb6: {  	_ =	swait.ge [sflag:s29], $0x1  }
0xb7: {  	[sflag:s29] =	ssyncadd.s32 $0xFFFFFFFF  }
0xb8: {  	_ =	strace $0x90000048  }
0xb9: {  	_ =	sfence  }
0xba: {  	s30 =	sld [smem:$0x0];
	_ =	sdelay $0x2  }
0xbb: {  	s31 =	sshll.u32 s1, $0xD;
	s1 =	sshrl.u32 s1, $0x2  }
0xbc: {  	s3 =	sand.u32 $0x4000, s31;
	s1 =	sadd.s32 s1, s30  }
0xbd: {  	s0 =	sor.u32 s3, s0;
	s1 =	sshll.u32 s1, $0x11  }
0xbe: {  	s0 =	sor.u32 s1, s0  }
0xbf: {  	s0 =	sadd.s32 $0x8F2B, s0  }
0xc0: {  	[sflag:s0] =	ssyncadd.remote.s32 $0x1  }
0xc1: {  	_ =	sfence.sel $0xFFFF  }
0xc2: {  	[dreg:$0x0] =	wrdreg $0xFFFFFFFF;
	(pc) =	sbr.abs _section_cstart, $3  }
0xc3: {  	[dreg:$0x1] =	wrdreg $0xFFFFFFFF  }
0xc4: {  	_ =	task.clear_ibuf [dreg:s9], $0x2FFFF;
	_ =	strace $0x9FFFFFFF  }
0xc5: {  	(tm) =	ssettm $0x7FFFFFFF  }
tec
execute0_lowered:
.L_overlay_start_1:
0x0: {  	(tag) =	ssettag $0x1  }
0x1: {  	s1 =	srdreg.scid  }
0x2: {  	s0 =	stileid.u32;
	s12 =	sand.u32 $0x1, s1  }
0x3: {  	s30 =	sshll.u32 s0, $0x9;
	s3 =	sshll.u32 s12, $0x8  }
0x4: {  	s11 =	sor.u32 s3, s30  }
0x5: {  	s2 =	rddreg [dreg:$0x0];
	s31 =	sshll.u32 s0, $0x5;
	s1 =	sshll.u32 s11, $0x2  }
0x6: {  	s4 =	rddreg [dreg:$0x1];
	s5 =	sor.u32 s31, s1  }
0x7: {  	s13 =	rddreg [dreg:$0x2];
	s3 =	simm.s32 $0x0;
	s5 =	sand.u32 $0x1D80, s5  }
0x8: {  	[smem:$0x7FF] =	sst s3;
	s5 =	sshrl.u32 s5, $0x3  }
0x9: {  	s1 =	rddreg [dreg:$0x3];
	_ =	strace $0x80000047;
	s4 =	sadd.s32 s4, s5  }
0xa: {  	[tilespmem:s3], [sflag:$0x1] =	stream.linear.gather [hbm4b:s4+s3], $0x80, $0x38;
	[tilespmem:$0x8100] =	vst v63  }
0xb: {  	s6 =	simm.s32 $0x80;
	s7 =	simm.s32 $0x1;
	s5 =	sadd.s32 $0x40, s4  }
0xc: {  	[tilespmem:s6], [sflag:$0x1] =	stream.linear.gather [hbm4b:s5+s3], $0x80, $0x38;
	[tilespmem:$0x8100] =	vst v63  }
0xd: {  	_ =	swait.ge [sflag:s7], $0x80  }
0xe: {  	[sflag:s7] =	ssyncset.done $0x0  }
0xf: {  	s8 =	simm.s32 $0x100;
	[sflag:s7] =	ssyncadd.s32 $0xFFFFFF80  }
0x10: {  	[tilespmem:s8], [sflag:$0x2] =	stream.indirect.gather [hbm4b:s2+s6], $0x80, s3, s6, $0xb8;
	[tilespmem:$0x8100] =	vst v63  }
0x11: {  	_ =	swait.ge [sflag:s7], $0x80  }
0x12: {  	[sflag:s7] =	ssyncset.done $0x0  }
0x13: {  	s9 =	simm.s32 $0x4100;
	s10 =	simm.s32 $0x2;
	[sflag:s7] =	ssyncadd.s32 $0xFFFFFF80  }
0x14: {  	[tilespmem:s9], [sflag:$0x2] =	stream.indirect.gather [hbm4b:s2+s6], $0x80, s6, s6, $0xb8;
	[tilespmem:$0x8100] =	vst v63  }
0x15: {  	_ =	swait.ge [sflag:s10], $0x4000  }
0x16: {  	s14 =	ssub.s32 $0x2, s12;
	s11 =	sshll.u32 s11, $0x4;
	[sflag:s10] =	ssyncset.done $0x0  }
0x17: {  	s15 =	sshrl.u32 s14, $0x1;
	s11 =	sadd.s32 s13, s11;
	[sflag:s10] =	ssyncadd.s32 $0xFFFFC000  }
0x18: {  	[hbm4b:s11+s3] =	stream.linear.scatter [tilespmem:s8], [sflag:$0x3], $0x4000, $0x38;
	[tilespmem:$0x8100] =	vst v63  }
0x19: {  	s14 =	ssub.s32 s14, s15;
	_ =	swait.ge [sflag:s10], $0x4000  }
0x1a: {  	s12 =	simm.s32 $0x3;
	s14 =	smax.u32 s14, $0x1;
	[sflag:s10] =	ssyncset.done $0x0  }
0x1b: {  	s13 =	sadd.s32 $0x800, s11;
	p0 =	sne.s32 s14, $0x1;
	[sflag:s10] =	ssyncadd.s32 $0xFFFFC000  }
0x1c: {  	[hbm4b:s13+s3] =	stream.linear.scatter [tilespmem:s9], [sflag:$0x3], $0x4000, $0x38;
	[tilespmem:$0x8100] =	vst v63  }
.Ltmp0:
0x1d: {  	_ =	swait.ge [sflag:s12], $0x4000;
	(pc) =	sbr.rel @!p0 .LBB2_2-.Ltmp0, $4  }
0x1e: {  	[sflag:s12] =	ssyncset.done $0x0  }
0x1f: {  	[sflag:s12] =	ssyncadd.s32 $0xFFFFC000  }
0x20: {  	_ =	swait.ge [sflag:s12], $0x4000  }
0x21: {  	s14 =	sadd.s32 $0xFFFFFFFF, s14;
	[sflag:s12] =	ssyncset.done $0x0  }
.LBB2_1:
0x22: {  	p0 =	sne.s32 s14, $0x1;
	s14 =	sadd.s32 $0xFFFFFFFF, s14;
	[sflag:s12] =	ssyncadd.s32 $0xFFFFC000  }
0x23: {  	[tilespmem:s3], [sflag:$0x1] =	stream.linear.gather [hbm4b:s4+s3], $0x80, $0x38;
	[tilespmem:$0x8100] =	vst v63  }
0x24: {  	_ = 	snop  }
0x25: {  	[tilespmem:s6], [sflag:$0x1] =	stream.linear.gather [hbm4b:s5+s3], $0x80, $0x38;
	[tilespmem:$0x8100] =	vst v63  }
0x26: {  	_ =	swait.ge [sflag:s7], $0x80  }
0x27: {  	[sflag:s7] =	ssyncset.done $0x0  }
0x28: {  	[sflag:s7] =	ssyncadd.s32 $0xFFFFFF80  }
0x29: {  	[tilespmem:s8], [sflag:$0x2] =	stream.indirect.gather [hbm4b:s2+s6], $0x80, s3, s6, $0xb8;
	[tilespmem:$0x8100] =	vst v63  }
0x2a: {  	_ =	swait.ge [sflag:s7], $0x80  }
0x2b: {  	[sflag:s7] =	ssyncset.done $0x0  }
0x2c: {  	[sflag:s7] =	ssyncadd.s32 $0xFFFFFF80  }
0x2d: {  	[tilespmem:s9], [sflag:$0x2] =	stream.indirect.gather [hbm4b:s2+s6], $0x80, s6, s6, $0xb8;
	[tilespmem:$0x8100] =	vst v63  }
0x2e: {  	_ =	swait.ge [sflag:s10], $0x4000  }
0x2f: {  	[sflag:s10] =	ssyncset.done $0x0  }
0x30: {  	[sflag:s10] =	ssyncadd.s32 $0xFFFFC000  }
0x31: {  	[hbm4b:s11+s3] =	stream.linear.scatter [tilespmem:s8], [sflag:$0x3], $0x4000, $0x38;
	[tilespmem:$0x8100] =	vst v63  }
0x32: {  	_ =	swait.ge [sflag:s10], $0x4000  }
0x33: {  	[sflag:s10] =	ssyncset.done $0x0  }
0x34: {  	[sflag:s10] =	ssyncadd.s32 $0xFFFFC000  }
0x35: {  	[hbm4b:s13+s3] =	stream.linear.scatter [tilespmem:s9], [sflag:$0x3], $0x4000, $0x38;
	[tilespmem:$0x8100] =	vst v63  }
.Ltmp1:
0x36: {  	_ =	swait.ge [sflag:s12], $0x4000;
	(pc) =	sbr.rel @p0 .LBB2_1-.Ltmp1, $4  }
0x37: {  	[sflag:s12] =	ssyncset.done $0x0  }
0x38: {  	[sflag:s12] =	ssyncadd.s32 $0xFFFFC000  }
0x39: {  	_ =	swait.ge [sflag:s12], $0x4000  }
0x3a: {  	[sflag:s12] =	ssyncset.done $0x0  }
.LBB2_2:
0x3b: {  	[sflag:s12] =	ssyncadd.s32 $0xFFFFC000  }
0x3c: {  	_ =	sfence.sel $0x180000  }
0x3d: {  	[bflag:$0x0] =	sbarrier.arrive $0xFFFF  }
0x3e: {  	p0 =	sne.s32 s0, $0x0;
	_ =	strace $0x90000047  }
0x3f: {  	s0 =	sadd.s32 @!p0 $0x100000, s1;
	[bflag:$0x2] =	sbarrier.arrive $0xFFFF  }
0x40: {  	[sflag:s0] =	ssyncadd.tile.s32 @!p0 $0x1;
	_ =	shalt  }
.Lfunc_end2:
_tile_overlayer_lowered:
.L_overlay_start_2:
0x41: {  	(tag) =	ssettag $0x2  }
0x42: {  	s0 =	rddreg [dreg:$0x0];
	s2 =	stileid.u32  }
0x43: {  	s1 =	rddreg [dreg:$0x1];
	p0 =	sne.s32 s2, $0x0  }
0x44: {  	s3 =	rddreg [dreg:$0x2];
	[bflag:$0x3] =	sbarrier.arrive $0xFFFF;
	s2 =	simm.s32 @!p0 $0x1C04  }
0x45: {  	[timem:s3], [sflag:s2] =	dma.local @!p0 [hbm:s0], s1  }
0x46: {  	s0 =	simm.s32 @!p0 $0x4  }
0x47: {  	_ =	swait.ge @!p0 [sflag:s0], s1  }
0x48: {  	s1 =	ssub.s32 @!p0 $0x0, s1;
	[sflag:s0] =	ssyncset.done @!p0 $0x0  }
0x49: {  	[sflag:s0] =	ssyncadd.s32 @!p0 s1  }
0x4a: {  	[bflag:$0x3] =	sbarrier.arrive $0xFFFF  }
0x4b: {  	_ =	shalt  }

</sc_bundles>
